<compile_context>
chip_gen: v7x
topology: tpu7x:2x2x1
jax: 0.10.2.dev20260603
libtpu: 0.0.44.dev20260713+nightly
codegen_flags: <defaults>
</compile_context>

<pallas_src>
import math

import jax
import jax.numpy as jnp
from jax import lax
from jax.experimental import pallas as pl
from jax.experimental.pallas import tpu as pltpu
from jax.experimental.pallas import tpu_sc as plsc

D_EMB = 128
N_BAR_STEPS = 64
MAX_BAR = 10

NC = 2
NS = 16
NW = NC * NS
LANES = 16

N_TOKENS = 1024 * 200
PER_W = N_TOKENS // NW
CHUNK = 128
N_CHUNKS = PER_W // CHUNK
NBUF = 2


def _sc_lookup(table, poses1d, bars1d):
  mesh = plsc.VectorSubcoreMesh(core_axis_name="c", subcore_axis_name="s")

  def body(table_hbm, poses_hbm, bars_hbm, out_hbm, idx_v, bar_v, rows_v,
           gsem):
    wid = lax.axis_index("s") * NC + lax.axis_index("c")
    base = pl.multiple_of(wid * PER_W, PER_W)

    pltpu.sync_copy(poses_hbm.at[pl.ds(base, PER_W)], idx_v)
    pltpu.sync_copy(bars_hbm.at[pl.ds(base, PER_W)], bar_v)

    def fuse(i, _):
      s = pl.multiple_of(i * LANES, LANES)
      idx_v[pl.ds(s, LANES)] = (
          idx_v[pl.ds(s, LANES)] * MAX_BAR + bar_v[pl.ds(s, LANES)]
      )
      return ()
    lax.fori_loop(0, PER_W // LANES, fuse, (), unroll=8)

    def gather(j, buf):
      o = pl.multiple_of(j * CHUNK, CHUNK)
      return pltpu.async_copy(
          table_hbm.at[idx_v.at[pl.ds(o, CHUNK)]], rows_v.at[buf], gsem)

    gather(0, 0).wait()

    def step(j, _):
      buf = j % NBUF
      nxt = (j + 1) % NBUF

      @pl.when(j + 1 < N_CHUNKS)
      def _():
        gather(j + 1, nxt)

      o = pl.multiple_of((wid * N_CHUNKS + j) * CHUNK, CHUNK)
      pltpu.sync_copy(rows_v.at[buf], out_hbm.at[pl.ds(o, CHUNK)])

      @pl.when(j + 1 < N_CHUNKS)
      def _():
        oo = pl.multiple_of((j + 1) * CHUNK, CHUNK)
        pltpu.make_async_copy(
            table_hbm.at[idx_v.at[pl.ds(oo, CHUNK)]], rows_v.at[nxt], gsem
        ).wait()
      return ()

    lax.fori_loop(0, N_CHUNKS, step, ())

  return pl.kernel(
      body,
      out_type=jax.ShapeDtypeStruct((N_TOKENS, D_EMB), jnp.float32),
      mesh=mesh,
      scratch_types=[
          pltpu.VMEM((PER_W,), jnp.int32),
          pltpu.VMEM((PER_W,), jnp.int32),
          pltpu.VMEM((NBUF, CHUNK, D_EMB), jnp.float32),
          pltpu.SemaphoreType.DMA,
      ],
  )(table, poses1d, bars1d)


def kernel(poses, bars, pos_table, bar_table):
  scale = math.sqrt(D_EMB)
  fused = ((pos_table[:, None, :] + bar_table[None, :, :]) * scale).reshape(
      N_BAR_STEPS * MAX_BAR, D_EMB)
  out = _sc_lookup(fused, poses.reshape(-1), bars.reshape(-1))
  return out.reshape(poses.shape + (D_EMB,))

# --- scband reference (transcript-rebuilt; emitter-appended) ---
"""Pipeline reference for scband-note-positional-embedding-45569603010934 (READ-ONLY COPY).

The authoritative reference and input builder live on the scoring server;
editing this copy changes nothing except your own understanding.
"""

import math
import jax, jax.numpy as jnp
import numpy as np

D_EMB = 128
N_BAR_STEPS = 64
MAX_BAR = 10
B = 1024
L = 200

def setup_inputs(seed: int = 0) -> dict:
    key = jax.random.key(seed)
    k1, k2, k3, k4 = jax.random.split(key, 4)
    poses = jax.random.randint(k1, (B, L), 0, N_BAR_STEPS, dtype=jnp.int64 if jax.config.jax_enable_x64 else jnp.int32).astype(jnp.int32)
    bars = jax.random.randint(k2, (B, L), 0, MAX_BAR, dtype=jnp.int32)
    # learned embedding tables (nn.Embedding default init ~ N(0,1))
    pos_table = jax.random.normal(k3, (N_BAR_STEPS, D_EMB), dtype=jnp.float32)
    bar_table = jax.random.normal(k4, (MAX_BAR, D_EMB), dtype=jnp.float32)
    return {"poses": poses, "bars": bars, "pos_table": pos_table, "bar_table": bar_table}

def reference(poses, bars, pos_table, bar_table):
    # Embeddings.forward: lut(x) * sqrt(d_model)
    scale = math.sqrt(D_EMB)
    pos_e = jnp.take(pos_table, poses, axis=0) * scale
    bar_e = jnp.take(bar_table, bars, axis=0) * scale
    return pos_e + bar_e

if __name__ == "__main__":
    import jax
    _d = setup_inputs()
    print(jax.jit(kernel)(*tuple(_d.values())))

</pallas_src>

<mosaic_0001>
#map = affine_map<(d0, d1) -> (0, 0)>
#map1 = affine_map<(d0, d1) -> (0)>
module attributes {stable_mosaic.version = 14 : i64} {
  func.func @body(%arg0: i32, %arg1: i32, %arg2: memref<640x128xf32, #tpu.memory_space<hbm>>, %arg3: memref<204800xi32, #tpu.memory_space<hbm>>, %arg4: memref<204800xi32, #tpu.memory_space<hbm>>, %arg5: memref<204800x128xf32, #tpu.memory_space<hbm>>, %arg6: memref<6400xi32, #tpu.memory_space<vmem>>, %arg7: memref<6400xi32, #tpu.memory_space<vmem>>, %arg8: memref<2x128x128xf32, #tpu.memory_space<vmem>>, %arg9: memref<!tpu.dma_semaphore, #tpu.memory_space<semaphore_mem>>) attributes {dimension_semantics = [#tpu.dimension_semantics<core_parallel>, #tpu.dimension_semantics<subcore_parallel>], iteration_bounds = array<i64: 2, 16>, scalar_prefetch = 0 : i64, scratch_operands = 4 : i64, tpu.core_type = #tpu.core_type<sc_vector_subcore>, window_params = [{transform_indices = #map}, {transform_indices = #map1}, {transform_indices = #map1}, {transform_indices = #map}]} {
    %mul3A = arith.constant 2 : i32
    %mul3A_0 = arith.muli %arg1, %mul3A : i32
    %add3A = arith.addi %mul3A_0, %arg0 : i32
    %mul3A_1 = arith.constant 6400 : i32
    %mul3A_2 = arith.muli %add3A, %mul3A_1 : i32
    %multiple_of3A = tpu.assume_multiple %mul3A_2, 6400 : i32
    "tpu.region"() ({
      %run_scoped3A = tpu.sem_alloc : memref<!tpu.dma_semaphore, #tpu.memory_space<semaphore_mem>>
      %dma_start3A_30 = tpu.memref_slice %arg3[%multiple_of3A] : memref<204800xi32, #tpu.memory_space<hbm>> -> memref<6400xi32, #tpu.memory_space<hbm>>
      %dma_start3A_31 = tpu.memref_slice %arg3[%multiple_of3A] : memref<204800xi32, #tpu.memory_space<hbm>> -> memref<6400xi32, #tpu.memory_space<hbm>>
      tpu.enqueue_dma source(%dma_start3A_31 : memref<6400xi32, #tpu.memory_space<hbm>>) target(%arg6 : memref<6400xi32, #tpu.memory_space<vmem>>) target_semaphore(%run_scoped3A : memref<!tpu.dma_semaphore, #tpu.memory_space<semaphore_mem>>)
      %dma_wait3A_32 = tpu.memref_slice %arg3[%multiple_of3A] : memref<204800xi32, #tpu.memory_space<hbm>> -> memref<6400xi32, #tpu.memory_space<hbm>>
      %dma_wait3A_33 = tpu.memref_slice %arg3[%multiple_of3A] : memref<204800xi32, #tpu.memory_space<hbm>> -> memref<6400xi32, #tpu.memory_space<hbm>>
      tpu.wait_dma2 semaphore(%run_scoped3A : memref<!tpu.dma_semaphore, #tpu.memory_space<semaphore_mem>>) src(%dma_wait3A_33 : memref<6400xi32, #tpu.memory_space<hbm>>) dst(%arg6 : memref<6400xi32, #tpu.memory_space<vmem>>)
      tpu.yield
    }) : () -> ()
    "tpu.region"() ({
      %run_scoped3A = tpu.sem_alloc : memref<!tpu.dma_semaphore, #tpu.memory_space<semaphore_mem>>
      %dma_start3A_30 = tpu.memref_slice %arg4[%multiple_of3A] : memref<204800xi32, #tpu.memory_space<hbm>> -> memref<6400xi32, #tpu.memory_space<hbm>>
      %dma_start3A_31 = tpu.memref_slice %arg4[%multiple_of3A] : memref<204800xi32, #tpu.memory_space<hbm>> -> memref<6400xi32, #tpu.memory_space<hbm>>
      tpu.enqueue_dma source(%dma_start3A_31 : memref<6400xi32, #tpu.memory_space<hbm>>) target(%arg7 : memref<6400xi32, #tpu.memory_space<vmem>>) target_semaphore(%run_scoped3A : memref<!tpu.dma_semaphore, #tpu.memory_space<semaphore_mem>>)
      %dma_wait3A_32 = tpu.memref_slice %arg4[%multiple_of3A] : memref<204800xi32, #tpu.memory_space<hbm>> -> memref<6400xi32, #tpu.memory_space<hbm>>
      %dma_wait3A_33 = tpu.memref_slice %arg4[%multiple_of3A] : memref<204800xi32, #tpu.memory_space<hbm>> -> memref<6400xi32, #tpu.memory_space<hbm>>
      tpu.wait_dma2 semaphore(%run_scoped3A : memref<!tpu.dma_semaphore, #tpu.memory_space<semaphore_mem>>) src(%dma_wait3A_33 : memref<6400xi32, #tpu.memory_space<hbm>>) dst(%arg7 : memref<6400xi32, #tpu.memory_space<vmem>>)
      tpu.yield
    }) : () -> ()
    %scan3A = arith.constant 0 : i32
    %scan3A_3 = arith.constant 400 : i32
    %scan3A_4 = arith.addi %scan3A, %scan3A_3 : i32
    %scan3A_5 = arith.constant 8 : i32
    scf.for %scan3A_30 = %scan3A to %scan3A_4 step %scan3A_5  : i32 {
      %mul3A_31 = arith.constant 16 : i32
      %mul3A_32 = arith.muli %scan3A_30, %mul3A_31 : i32
      %multiple_of3A_33 = tpu.assume_multiple %mul3A_32, 16 : i32
      %get3A = arith.index_cast %multiple_of3A_33 : i32 to index
      %get3A_34 = tpu.vector_load %arg6[%get3A] {strides = array<i32>} : memref<6400xi32, #tpu.memory_space<vmem>>, vector<16xi32>,
      %get3A_35 = vector.shape_cast %get3A_34 : vector<16xi32> to vector<16xi32>
      %mul3A_36 = arith.constant 10 : i32
      %mul3A_37 = vector.broadcast %mul3A_36 : i32 to vector<16xi32>
      %mul3A_38 = arith.muli %get3A_35, %mul3A_37 : vector<16xi32>
      %get3A_39 = arith.index_cast %multiple_of3A_33 : i32 to index
      %get3A_40 = tpu.vector_load %arg7[%get3A_39] {strides = array<i32>} : memref<6400xi32, #tpu.memory_space<vmem>>, vector<16xi32>,
      %get3A_41 = vector.shape_cast %get3A_40 : vector<16xi32> to vector<16xi32>
      %add3A_42 = arith.addi %mul3A_38, %get3A_41 : vector<16xi32>
      %swap3A = arith.index_cast %multiple_of3A_33 : i32 to index
      %swap3A_43 = tpu.vector_load %arg6[%swap3A] {strides = array<i32>} : memref<6400xi32, #tpu.memory_space<vmem>>, vector<16xi32>,
      %swap3A_44 = vector.shape_cast %swap3A_43 : vector<16xi32> to vector<16xi32>
      %swap3A_45 = vector.shape_cast %add3A_42 : vector<16xi32> to vector<16xi32>
      tpu.vector_store %arg6[%swap3A], %swap3A_45 {strides = array<i32>} : memref<6400xi32, #tpu.memory_space<vmem>>, vector<16xi32>,
      %scan3A_46 = arith.constant 1 : i32
      %scan3A_47 = arith.addi %scan3A_30, %scan3A_46 : i32
      %mul3A_48 = arith.constant 16 : i32
      %mul3A_49 = arith.muli %scan3A_47, %mul3A_48 : i32
      %multiple_of3A_50 = tpu.assume_multiple %mul3A_49, 16 : i32
      %get3A_51 = arith.index_cast %multiple_of3A_50 : i32 to index
      %get3A_52 = tpu.vector_load %arg6[%get3A_51] {strides = array<i32>} : memref<6400xi32, #tpu.memory_space<vmem>>, vector<16xi32>,
      %get3A_53 = vector.shape_cast %get3A_52 : vector<16xi32> to vector<16xi32>
      %mul3A_54 = arith.constant 10 : i32
      %mul3A_55 = vector.broadcast %mul3A_54 : i32 to vector<16xi32>
      %mul3A_56 = arith.muli %get3A_53, %mul3A_55 : vector<16xi32>
      %get3A_57 = arith.index_cast %multiple_of3A_50 : i32 to index
      %get3A_58 = tpu.vector_load %arg7[%get3A_57] {strides = array<i32>} : memref<6400xi32, #tpu.memory_space<vmem>>, vector<16xi32>,
      %get3A_59 = vector.shape_cast %get3A_58 : vector<16xi32> to vector<16xi32>
      %add3A_60 = arith.addi %mul3A_56, %get3A_59 : vector<16xi32>
      %swap3A_61 = arith.index_cast %multiple_of3A_50 : i32 to index
      %swap3A_62 = tpu.vector_load %arg6[%swap3A_61] {strides = array<i32>} : memref<6400xi32, #tpu.memory_space<vmem>>, vector<16xi32>,
      %swap3A_63 = vector.shape_cast %swap3A_62 : vector<16xi32> to vector<16xi32>
      %swap3A_64 = vector.shape_cast %add3A_60 : vector<16xi32> to vector<16xi32>
      tpu.vector_store %arg6[%swap3A_61], %swap3A_64 {strides = array<i32>} : memref<6400xi32, #tpu.memory_space<vmem>>, vector<16xi32>,
      %scan3A_65 = arith.constant 2 : i32
      %scan3A_66 = arith.addi %scan3A_30, %scan3A_65 : i32
      %mul3A_67 = arith.constant 16 : i32
      %mul3A_68 = arith.muli %scan3A_66, %mul3A_67 : i32
      %multiple_of3A_69 = tpu.assume_multiple %mul3A_68, 16 : i32
      %get3A_70 = arith.index_cast %multiple_of3A_69 : i32 to index
      %get3A_71 = tpu.vector_load %arg6[%get3A_70] {strides = array<i32>} : memref<6400xi32, #tpu.memory_space<vmem>>, vector<16xi32>,
      %get3A_72 = vector.shape_cast %get3A_71 : vector<16xi32> to vector<16xi32>
      %mul3A_73 = arith.constant 10 : i32
      %mul3A_74 = vector.broadcast %mul3A_73 : i32 to vector<16xi32>
      %mul3A_75 = arith.muli %get3A_72, %mul3A_74 : vector<16xi32>
      %get3A_76 = arith.index_cast %multiple_of3A_69 : i32 to index
      %get3A_77 = tpu.vector_load %arg7[%get3A_76] {strides = array<i32>} : memref<6400xi32, #tpu.memory_space<vmem>>, vector<16xi32>,
      %get3A_78 = vector.shape_cast %get3A_77 : vector<16xi32> to vector<16xi32>
      %add3A_79 = arith.addi %mul3A_75, %get3A_78 : vector<16xi32>
      %swap3A_80 = arith.index_cast %multiple_of3A_69 : i32 to index
      %swap3A_81 = tpu.vector_load %arg6[%swap3A_80] {strides = array<i32>} : memref<6400xi32, #tpu.memory_space<vmem>>, vector<16xi32>,
      %swap3A_82 = vector.shape_cast %swap3A_81 : vector<16xi32> to vector<16xi32>
      %swap3A_83 = vector.shape_cast %add3A_79 : vector<16xi32> to vector<16xi32>
      tpu.vector_store %arg6[%swap3A_80], %swap3A_83 {strides = array<i32>} : memref<6400xi32, #tpu.memory_space<vmem>>, vector<16xi32>,
      %scan3A_84 = arith.constant 3 : i32
      %scan3A_85 = arith.addi %scan3A_30, %scan3A_84 : i32
      %mul3A_86 = arith.constant 16 : i32
      %mul3A_87 = arith.muli %scan3A_85, %mul3A_86 : i32
      %multiple_of3A_88 = tpu.assume_multiple %mul3A_87, 16 : i32
      %get3A_89 = arith.index_cast %multiple_of3A_88 : i32 to index
      %get3A_90 = tpu.vector_load %arg6[%get3A_89] {strides = array<i32>} : memref<6400xi32, #tpu.memory_space<vmem>>, vector<16xi32>,
      %get3A_91 = vector.shape_cast %get3A_90 : vector<16xi32> to vector<16xi32>
      %mul3A_92 = arith.constant 10 : i32
      %mul3A_93 = vector.broadcast %mul3A_92 : i32 to vector<16xi32>
      %mul3A_94 = arith.muli %get3A_91, %mul3A_93 : vector<16xi32>
      %get3A_95 = arith.index_cast %multiple_of3A_88 : i32 to index
      %get3A_96 = tpu.vector_load %arg7[%get3A_95] {strides = array<i32>} : memref<6400xi32, #tpu.memory_space<vmem>>, vector<16xi32>,
      %get3A_97 = vector.shape_cast %get3A_96 : vector<16xi32> to vector<16xi32>
      %add3A_98 = arith.addi %mul3A_94, %get3A_97 : vector<16xi32>
      %swap3A_99 = arith.index_cast %multiple_of3A_88 : i32 to index
      %swap3A_100 = tpu.vector_load %arg6[%swap3A_99] {strides = array<i32>} : memref<6400xi32, #tpu.memory_space<vmem>>, vector<16xi32>,
      %swap3A_101 = vector.shape_cast %swap3A_100 : vector<16xi32> to vector<16xi32>
      %swap3A_102 = vector.shape_cast %add3A_98 : vector<16xi32> to vector<16xi32>
      tpu.vector_store %arg6[%swap3A_99], %swap3A_102 {strides = array<i32>} : memref<6400xi32, #tpu.memory_space<vmem>>, vector<16xi32>,
      %scan3A_103 = arith.constant 4 : i32
      %scan3A_104 = arith.addi %scan3A_30, %scan3A_103 : i32
      %mul3A_105 = arith.constant 16 : i32
      %mul3A_106 = arith.muli %scan3A_104, %mul3A_105 : i32
      %multiple_of3A_107 = tpu.assume_multiple %mul3A_106, 16 : i32
      %get3A_108 = arith.index_cast %multiple_of3A_107 : i32 to index
      %get3A_109 = tpu.vector_load %arg6[%get3A_108] {strides = array<i32>} : memref<6400xi32, #tpu.memory_space<vmem>>, vector<16xi32>,
      %get3A_110 = vector.shape_cast %get3A_109 : vector<16xi32> to vector<16xi32>
      %mul3A_111 = arith.constant 10 : i32
      %mul3A_112 = vector.broadcast %mul3A_111 : i32 to vector<16xi32>
      %mul3A_113 = arith.muli %get3A_110, %mul3A_112 : vector<16xi32>
      %get3A_114 = arith.index_cast %multiple_of3A_107 : i32 to index
      %get3A_115 = tpu.vector_load %arg7[%get3A_114] {strides = array<i32>} : memref<6400xi32, #tpu.memory_space<vmem>>, vector<16xi32>,
      %get3A_116 = vector.shape_cast %get3A_115 : vector<16xi32> to vector<16xi32>
      %add3A_117 = arith.addi %mul3A_113, %get3A_116 : vector<16xi32>
      %swap3A_118 = arith.index_cast %multiple_of3A_107 : i32 to index
      %swap3A_119 = tpu.vector_load %arg6[%swap3A_118] {strides = array<i32>} : memref<6400xi32, #tpu.memory_space<vmem>>, vector<16xi32>,
      %swap3A_120 = vector.shape_cast %swap3A_119 : vector<16xi32> to vector<16xi32>
      %swap3A_121 = vector.shape_cast %add3A_117 : vector<16xi32> to vector<16xi32>
      tpu.vector_store %arg6[%swap3A_118], %swap3A_121 {strides = array<i32>} : memref<6400xi32, #tpu.memory_space<vmem>>, vector<16xi32>,
      %scan3A_122 = arith.constant 5 : i32
      %scan3A_123 = arith.addi %scan3A_30, %scan3A_122 : i32
      %mul3A_124 = arith.constant 16 : i32
      %mul3A_125 = arith.muli %scan3A_123, %mul3A_124 : i32
      %multiple_of3A_126 = tpu.assume_multiple %mul3A_125, 16 : i32
      %get3A_127 = arith.index_cast %multiple_of3A_126 : i32 to index
      %get3A_128 = tpu.vector_load %arg6[%get3A_127] {strides = array<i32>} : memref<6400xi32, #tpu.memory_space<vmem>>, vector<16xi32>,
      %get3A_129 = vector.shape_cast %get3A_128 : vector<16xi32> to vector<16xi32>
      %mul3A_130 = arith.constant 10 : i32
      %mul3A_131 = vector.broadcast %mul3A_130 : i32 to vector<16xi32>
      %mul3A_132 = arith.muli %get3A_129, %mul3A_131 : vector<16xi32>
      %get3A_133 = arith.index_cast %multiple_of3A_126 : i32 to index
      %get3A_134 = tpu.vector_load %arg7[%get3A_133] {strides = array<i32>} : memref<6400xi32, #tpu.memory_space<vmem>>, vector<16xi32>,
      %get3A_135 = vector.shape_cast %get3A_134 : vector<16xi32> to vector<16xi32>
      %add3A_136 = arith.addi %mul3A_132, %get3A_135 : vector<16xi32>
      %swap3A_137 = arith.index_cast %multiple_of3A_126 : i32 to index
      %swap3A_138 = tpu.vector_load %arg6[%swap3A_137] {strides = array<i32>} : memref<6400xi32, #tpu.memory_space<vmem>>, vector<16xi32>,
      %swap3A_139 = vector.shape_cast %swap3A_138 : vector<16xi32> to vector<16xi32>
      %swap3A_140 = vector.shape_cast %add3A_136 : vector<16xi32> to vector<16xi32>
      tpu.vector_store %arg6[%swap3A_137], %swap3A_140 {strides = array<i32>} : memref<6400xi32, #tpu.memory_space<vmem>>, vector<16xi32>,
      %scan3A_141 = arith.constant 6 : i32
      %scan3A_142 = arith.addi %scan3A_30, %scan3A_141 : i32
      %mul3A_143 = arith.constant 16 : i32
      %mul3A_144 = arith.muli %scan3A_142, %mul3A_143 : i32
      %multiple_of3A_145 = tpu.assume_multiple %mul3A_144, 16 : i32
      %get3A_146 = arith.index_cast %multiple_of3A_145 : i32 to index
      %get3A_147 = tpu.vector_load %arg6[%get3A_146] {strides = array<i32>} : memref<6400xi32, #tpu.memory_space<vmem>>, vector<16xi32>,
      %get3A_148 = vector.shape_cast %get3A_147 : vector<16xi32> to vector<16xi32>
      %mul3A_149 = arith.constant 10 : i32
      %mul3A_150 = vector.broadcast %mul3A_149 : i32 to vector<16xi32>
      %mul3A_151 = arith.muli %get3A_148, %mul3A_150 : vector<16xi32>
      %get3A_152 = arith.index_cast %multiple_of3A_145 : i32 to index
      %get3A_153 = tpu.vector_load %arg7[%get3A_152] {strides = array<i32>} : memref<6400xi32, #tpu.memory_space<vmem>>, vector<16xi32>,
      %get3A_154 = vector.shape_cast %get3A_153 : vector<16xi32> to vector<16xi32>
      %add3A_155 = arith.addi %mul3A_151, %get3A_154 : vector<16xi32>
      %swap3A_156 = arith.index_cast %multiple_of3A_145 : i32 to index
      %swap3A_157 = tpu.vector_load %arg6[%swap3A_156] {strides = array<i32>} : memref<6400xi32, #tpu.memory_space<vmem>>, vector<16xi32>,
      %swap3A_158 = vector.shape_cast %swap3A_157 : vector<16xi32> to vector<16xi32>
      %swap3A_159 = vector.shape_cast %add3A_155 : vector<16xi32> to vector<16xi32>
      tpu.vector_store %arg6[%swap3A_156], %swap3A_159 {strides = array<i32>} : memref<6400xi32, #tpu.memory_space<vmem>>, vector<16xi32>,
      %scan3A_160 = arith.constant 7 : i32
      %scan3A_161 = arith.addi %scan3A_30, %scan3A_160 : i32
      %mul3A_162 = arith.constant 16 : i32
      %mul3A_163 = arith.muli %scan3A_161, %mul3A_162 : i32
      %multiple_of3A_164 = tpu.assume_multiple %mul3A_163, 16 : i32
      %get3A_165 = arith.index_cast %multiple_of3A_164 : i32 to index
      %get3A_166 = tpu.vector_load %arg6[%get3A_165] {strides = array<i32>} : memref<6400xi32, #tpu.memory_space<vmem>>, vector<16xi32>,
      %get3A_167 = vector.shape_cast %get3A_166 : vector<16xi32> to vector<16xi32>
      %mul3A_168 = arith.constant 10 : i32
      %mul3A_169 = vector.broadcast %mul3A_168 : i32 to vector<16xi32>
      %mul3A_170 = arith.muli %get3A_167, %mul3A_169 : vector<16xi32>
      %get3A_171 = arith.index_cast %multiple_of3A_164 : i32 to index
      %get3A_172 = tpu.vector_load %arg7[%get3A_171] {strides = array<i32>} : memref<6400xi32, #tpu.memory_space<vmem>>, vector<16xi32>,
      %get3A_173 = vector.shape_cast %get3A_172 : vector<16xi32> to vector<16xi32>
      %add3A_174 = arith.addi %mul3A_170, %get3A_173 : vector<16xi32>
      %swap3A_175 = arith.index_cast %multiple_of3A_164 : i32 to index
      %swap3A_176 = tpu.vector_load %arg6[%swap3A_175] {strides = array<i32>} : memref<6400xi32, #tpu.memory_space<vmem>>, vector<16xi32>,
      %swap3A_177 = vector.shape_cast %swap3A_176 : vector<16xi32> to vector<16xi32>
      %swap3A_178 = vector.shape_cast %add3A_174 : vector<16xi32> to vector<16xi32>
      tpu.vector_store %arg6[%swap3A_175], %swap3A_178 {strides = array<i32>} : memref<6400xi32, #tpu.memory_space<vmem>>, vector<16xi32>,
    }
    %scan3A_6 = arith.constant 400 : i32
    %multiple_of3A_7 = arith.constant 0 : i32
    %multiple_of3A_8 = tpu.assume_multiple %multiple_of3A_7, 128 : i32
    %dma_start3A = arith.constant 0 : i32
    %dma_start3A_9 = arith.constant 0 : i32
    %dma_start3A_10 = arith.constant 0 : i32
    %dma_start3A_11 = tpu.memref_slice %arg8[%dma_start3A, %dma_start3A_9, %dma_start3A_10] : memref<2x128x128xf32, #tpu.memory_space<vmem>> -> memref<1x128x128xf32, #tpu.memory_space<vmem>>
    %dma_start3A_12 = tpu.memref_squeeze %dma_start3A_11 : memref<1x128x128xf32, #tpu.memory_space<vmem>> -> memref<128x128xf32, #tpu.memory_space<vmem>>
    %dma_start3A_13 = tpu.memref_slice %arg6[%multiple_of3A_8] : memref<6400xi32, #tpu.memory_space<vmem>> -> memref<128xi32, #tpu.memory_space<vmem>>
    %dma_start3A_14 = arith.constant 0 : i32
    %dma_start3A_15 = arith.constant 0 : i32
    %dma_start3A_16 = tpu.memref_slice %arg2[%dma_start3A_14, %dma_start3A_15] : memref<640x128xf32, #tpu.memory_space<hbm>> -> memref<640x128xf32, #tpu.memory_space<hbm>>
    tpu.enqueue_indirect_dma source(%dma_start3A_16 : memref<640x128xf32, #tpu.memory_space<hbm>>) target(%dma_start3A_12 : memref<128x128xf32, #tpu.memory_space<vmem>>) offsets(%dma_start3A_13 : memref<128xi32, #tpu.memory_space<vmem>>) semaphore(%arg9 : memref<!tpu.dma_semaphore, #tpu.memory_space<semaphore_mem>>)
    %dma_wait3A = arith.constant 0 : i32
    %dma_wait3A_17 = arith.constant 0 : i32
    %dma_wait3A_18 = arith.constant 0 : i32
    %dma_wait3A_19 = tpu.memref_slice %arg8[%dma_wait3A, %dma_wait3A_17, %dma_wait3A_18] : memref<2x128x128xf32, #tpu.memory_space<vmem>> -> memref<1x128x128xf32, #tpu.memory_space<vmem>>
    %dma_wait3A_20 = tpu.memref_squeeze %dma_wait3A_19 : memref<1x128x128xf32, #tpu.memory_space<vmem>> -> memref<128x128xf32, #tpu.memory_space<vmem>>
    %dma_wait3A_21 = tpu.memref_slice %arg6[%multiple_of3A_8] : memref<6400xi32, #tpu.memory_space<vmem>> -> memref<128xi32, #tpu.memory_space<vmem>>
    %dma_wait3A_22 = arith.constant 0 : i32
    %dma_wait3A_23 = arith.constant 0 : i32
    %dma_wait3A_24 = tpu.memref_slice %arg2[%dma_wait3A_22, %dma_wait3A_23] : memref<640x128xf32, #tpu.memory_space<hbm>> -> memref<640x128xf32, #tpu.memory_space<hbm>>
    tpu.wait_indirect_dma semaphore(%arg9 : memref<!tpu.dma_semaphore, #tpu.memory_space<semaphore_mem>>) src(%dma_wait3A_24 : memref<640x128xf32, #tpu.memory_space<hbm>>) dst(%dma_wait3A_20 : memref<128x128xf32, #tpu.memory_space<vmem>>)
    %scan3A_25 = arith.constant 0 : i32
    %scan3A_26 = arith.constant 50 : i32
    %scan3A_27 = arith.addi %scan3A_25, %scan3A_26 : i32
    %scan3A_28 = arith.constant 1 : i32
    scf.for %scan3A_30 = %scan3A_25 to %scan3A_27 step %scan3A_28  : i32 {
      %jit3A = arith.constant 2 : i32
      %eq3A = arith.constant 0 : i32
      %eq3A_31 = arith.cmpi eq, %jit3A, %eq3A : i32
      %jit3A_32 = arith.constant 1 : i32
      %select_n3A = arith.select %eq3A_31, %jit3A_32, %jit3A : i32
      %rem3A = arith.remsi %scan3A_30, %select_n3A : i32
      %ne3A = arith.constant 0 : i32
      %ne3A_33 = arith.cmpi ne, %rem3A, %ne3A : i32
      %lt3A = arith.constant 0 : i32
      %lt3A_34 = arith.cmpi slt, %rem3A, %lt3A : i32
      %lt3A_35 = arith.constant 0 : i32
      %lt3A_36 = arith.cmpi slt, %select_n3A, %lt3A_35 : i32
      %ne3A_37 = arith.xori %lt3A_34, %lt3A_36 : i1
      %and3A = arith.andi %ne3A_37, %ne3A_33 : i1
      %add3A_38 = arith.addi %rem3A, %select_n3A : i32
      %select_n3A_39 = arith.select %and3A, %add3A_38, %rem3A : i32
      %add3A_40 = arith.constant 1 : i32
      %add3A_41 = arith.addi %scan3A_30, %add3A_40 : i32
      %jit3A_42 = arith.constant 2 : i32
      %eq3A_43 = arith.constant 0 : i32
      %eq3A_44 = arith.cmpi eq, %jit3A_42, %eq3A_43 : i32
      %jit3A_45 = arith.constant 1 : i32
      %select_n3A_46 = arith.select %eq3A_44, %jit3A_45, %jit3A_42 : i32
      %rem3A_47 = arith.remsi %add3A_41, %select_n3A_46 : i32
      %ne3A_48 = arith.constant 0 : i32
      %ne3A_49 = arith.cmpi ne, %rem3A_47, %ne3A_48 : i32
      %lt3A_50 = arith.constant 0 : i32
      %lt3A_51 = arith.cmpi slt, %rem3A_47, %lt3A_50 : i32
      %lt3A_52 = arith.constant 0 : i32
      %lt3A_53 = arith.cmpi slt, %select_n3A_46, %lt3A_52 : i32
      %ne3A_54 = arith.xori %lt3A_51, %lt3A_53 : i1
      %and3A_55 = arith.andi %ne3A_54, %ne3A_49 : i1
      %add3A_56 = arith.addi %rem3A_47, %select_n3A_46 : i32
      %select_n3A_57 = arith.select %and3A_55, %add3A_56, %rem3A_47 : i32
      %add3A_58 = arith.constant 1 : i32
      %add3A_59 = arith.addi %scan3A_30, %add3A_58 : i32
      %lt3A_60 = arith.constant 50 : i32
      %lt3A_61 = arith.cmpi slt, %add3A_59, %lt3A_60 : i32
      %convert_element_type3A = arith.extui %lt3A_61 : i1 to i32
      %cond3A = arith.constant 0 : i32
      %cond3A_62 = arith.cmpi ne, %convert_element_type3A, %cond3A : i32
      scf.if %cond3A_62 {
        %add3A_76 = arith.constant 1 : i32
        %add3A_77 = arith.addi %scan3A_30, %add3A_76 : i32
        %mul3A_78 = arith.constant 128 : i32
        %mul3A_79 = arith.muli %add3A_77, %mul3A_78 : i32
        %multiple_of3A_80 = tpu.assume_multiple %mul3A_79, 128 : i32
        %dma_start3A_81 = arith.constant 0 : i32
        %dma_start3A_82 = arith.constant 0 : i32
        %dma_start3A_83 = tpu.memref_slice %arg8[%select_n3A_57, %dma_start3A_81, %dma_start3A_82] : memref<2x128x128xf32, #tpu.memory_space<vmem>> -> memref<1x128x128xf32, #tpu.memory_space<vmem>>
        %dma_start3A_84 = tpu.memref_squeeze %dma_start3A_83 : memref<1x128x128xf32, #tpu.memory_space<vmem>> -> memref<128x128xf32, #tpu.memory_space<vmem>>
        %dma_start3A_85 = tpu.memref_slice %arg6[%multiple_of3A_80] : memref<6400xi32, #tpu.memory_space<vmem>> -> memref<128xi32, #tpu.memory_space<vmem>>
        %dma_start3A_86 = arith.constant 0 : i32
        %dma_start3A_87 = arith.constant 0 : i32
        %dma_start3A_88 = tpu.memref_slice %arg2[%dma_start3A_86, %dma_start3A_87] : memref<640x128xf32, #tpu.memory_space<hbm>> -> memref<640x128xf32, #tpu.memory_space<hbm>>
        tpu.enqueue_indirect_dma source(%dma_start3A_88 : memref<640x128xf32, #tpu.memory_space<hbm>>) target(%dma_start3A_84 : memref<128x128xf32, #tpu.memory_space<vmem>>) offsets(%dma_start3A_85 : memref<128xi32, #tpu.memory_space<vmem>>) semaphore(%arg9 : memref<!tpu.dma_semaphore, #tpu.memory_space<semaphore_mem>>)
      } else {
      }
      %mul3A_63 = arith.constant 50 : i32
      %mul3A_64 = arith.muli %add3A, %mul3A_63 : i32
      %add3A_65 = arith.addi %mul3A_64, %scan3A_30 : i32
      %mul3A_66 = arith.constant 128 : i32
      %mul3A_67 = arith.muli %add3A_65, %mul3A_66 : i32
      %multiple_of3A_68 = tpu.assume_multiple %mul3A_67, 128 : i32
      "tpu.region"() ({
        %run_scoped3A = tpu.sem_alloc : memref<!tpu.dma_semaphore, #tpu.memory_space<semaphore_mem>>
        %dma_start3A_76 = arith.constant 0 : i32
        %dma_start3A_77 = arith.constant 0 : i32
        %dma_start3A_78 = tpu.memref_slice %arg8[%select_n3A_39, %dma_start3A_76, %dma_start3A_77] : memref<2x128x128xf32, #tpu.memory_space<vmem>> -> memref<1x128x128xf32, #tpu.memory_space<vmem>>
        %dma_start3A_79 = tpu.memref_squeeze %dma_start3A_78 : memref<1x128x128xf32, #tpu.memory_space<vmem>> -> memref<128x128xf32, #tpu.memory_space<vmem>>
        %dma_start3A_80 = arith.constant 0 : i32
        %dma_start3A_81 = tpu.memref_slice %arg5[%multiple_of3A_68, %dma_start3A_80] : memref<204800x128xf32, #tpu.memory_space<hbm>> -> memref<128x128xf32, #tpu.memory_space<hbm>>
        %dma_start3A_82 = arith.constant 0 : i32
        %dma_start3A_83 = tpu.memref_slice %arg5[%multiple_of3A_68, %dma_start3A_82] : memref<204800x128xf32, #tpu.memory_space<hbm>> -> memref<128x128xf32, #tpu.memory_space<hbm>>
        %dma_start3A_84 = arith.constant 0 : i32
        %dma_start3A_85 = arith.constant 0 : i32
        %dma_start3A_86 = tpu.memref_slice %arg8[%select_n3A_39, %dma_start3A_84, %dma_start3A_85] : memref<2x128x128xf32, #tpu.memory_space<vmem>> -> memref<1x128x128xf32, #tpu.memory_space<vmem>>
        %dma_start3A_87 = tpu.memref_squeeze %dma_start3A_86 : memref<1x128x128xf32, #tpu.memory_space<vmem>> -> memref<128x128xf32, #tpu.memory_space<vmem>>
        tpu.enqueue_dma source(%dma_start3A_87 : memref<128x128xf32, #tpu.memory_space<vmem>>) target(%dma_start3A_83 : memref<128x128xf32, #tpu.memory_space<hbm>>) target_semaphore(%run_scoped3A : memref<!tpu.dma_semaphore, #tpu.memory_space<semaphore_mem>>)
        %dma_wait3A_88 = arith.constant 0 : i32
        %dma_wait3A_89 = arith.constant 0 : i32
        %dma_wait3A_90 = tpu.memref_slice %arg8[%select_n3A_39, %dma_wait3A_88, %dma_wait3A_89] : memref<2x128x128xf32, #tpu.memory_space<vmem>> -> memref<1x128x128xf32, #tpu.memory_space<vmem>>
        %dma_wait3A_91 = tpu.memref_squeeze %dma_wait3A_90 : memref<1x128x128xf32, #tpu.memory_space<vmem>> -> memref<128x128xf32, #tpu.memory_space<vmem>>
        %dma_wait3A_92 = arith.constant 0 : i32
        %dma_wait3A_93 = tpu.memref_slice %arg5[%multiple_of3A_68, %dma_wait3A_92] : memref<204800x128xf32, #tpu.memory_space<hbm>> -> memref<128x128xf32, #tpu.memory_space<hbm>>
        %dma_wait3A_94 = arith.constant 0 : i32
        %dma_wait3A_95 = tpu.memref_slice %arg5[%multiple_of3A_68, %dma_wait3A_94] : memref<204800x128xf32, #tpu.memory_space<hbm>> -> memref<128x128xf32, #tpu.memory_space<hbm>>
        %dma_wait3A_96 = arith.constant 0 : i32
        %dma_wait3A_97 = arith.constant 0 : i32
        %dma_wait3A_98 = tpu.memref_slice %arg8[%select_n3A_39, %dma_wait3A_96, %dma_wait3A_97] : memref<2x128x128xf32, #tpu.memory_space<vmem>> -> memref<1x128x128xf32, #tpu.memory_space<vmem>>
        %dma_wait3A_99 = tpu.memref_squeeze %dma_wait3A_98 : memref<1x128x128xf32, #tpu.memory_space<vmem>> -> memref<128x128xf32, #tpu.memory_space<vmem>>
        tpu.wait_dma2 semaphore(%run_scoped3A : memref<!tpu.dma_semaphore, #tpu.memory_space<semaphore_mem>>) src(%dma_wait3A_99 : memref<128x128xf32, #tpu.memory_space<vmem>>) dst(%dma_wait3A_95 : memref<128x128xf32, #tpu.memory_space<hbm>>)
        tpu.yield
      }) : () -> ()
      %add3A_69 = arith.constant 1 : i32
      %add3A_70 = arith.addi %scan3A_30, %add3A_69 : i32
      %lt3A_71 = arith.constant 50 : i32
      %lt3A_72 = arith.cmpi slt, %add3A_70, %lt3A_71 : i32
      %convert_element_type3A_73 = arith.extui %lt3A_72 : i1 to i32
      %cond3A_74 = arith.constant 0 : i32
      %cond3A_75 = arith.cmpi ne, %convert_element_type3A_73, %cond3A_74 : i32
      scf.if %cond3A_75 {
        %add3A_76 = arith.constant 1 : i32
        %add3A_77 = arith.addi %scan3A_30, %add3A_76 : i32
        %mul3A_78 = arith.constant 128 : i32
        %mul3A_79 = arith.muli %add3A_77, %mul3A_78 : i32
        %multiple_of3A_80 = tpu.assume_multiple %mul3A_79, 128 : i32
        %dma_wait3A_81 = arith.constant 0 : i32
        %dma_wait3A_82 = arith.constant 0 : i32
        %dma_wait3A_83 = tpu.memref_slice %arg8[%select_n3A_57, %dma_wait3A_81, %dma_wait3A_82] : memref<2x128x128xf32, #tpu.memory_space<vmem>> -> memref<1x128x128xf32, #tpu.memory_space<vmem>>
        %dma_wait3A_84 = tpu.memref_squeeze %dma_wait3A_83 : memref<1x128x128xf32, #tpu.memory_space<vmem>> -> memref<128x128xf32, #tpu.memory_space<vmem>>
        %dma_wait3A_85 = tpu.memref_slice %arg6[%multiple_of3A_80] : memref<6400xi32, #tpu.memory_space<vmem>> -> memref<128xi32, #tpu.memory_space<vmem>>
        %dma_wait3A_86 = arith.constant 0 : i32
        %dma_wait3A_87 = arith.constant 0 : i32
        %dma_wait3A_88 = tpu.memref_slice %arg2[%dma_wait3A_86, %dma_wait3A_87] : memref<640x128xf32, #tpu.memory_space<hbm>> -> memref<640x128xf32, #tpu.memory_space<hbm>>
        tpu.wait_indirect_dma semaphore(%arg9 : memref<!tpu.dma_semaphore, #tpu.memory_space<semaphore_mem>>) src(%dma_wait3A_88 : memref<640x128xf32, #tpu.memory_space<hbm>>) dst(%dma_wait3A_84 : memref<128x128xf32, #tpu.memory_space<vmem>>)
      } else {
      }
    }
    %scan3A_29 = arith.constant 50 : i32
    return
  }
}

</mosaic_0001>

<sc_bundles>
// kernel: kernel.3.cloned.1.call-start
scs
__scs_entry_jumppad:
0x0: {  	(pc) =	sbr.rel $0x88, $3  }
0x1: {  	(tag) =	ssettag $0x0;
	lr =	simm.s32 $0x1  }
0x2: {  	[smem:$0x3F9D] =	sst lr;
	_ =	strace $0xD0000000  }
0x3: {  	_ = 	snop  }
0x4: {  	_ = 	snop  }
0x5: {  	_ = 	snop  }
0x6: {  	_ = 	snop  }
0x7: {  	_ = 	snop  }
__scs_overlays_trampoline_lowered:
0x8: {  	[smem:$0x3FAC] =	sst s0  }
0x9: {  	[smem:$0x3FAD] =	sst s1  }
0xa: {  	[smem:$0x3FAE] =	sst s2  }
0xb: {  	[smem:$0x3FAF] =	sst s3  }
0xc: {  	[smem:$0x3FB0] =	sst s4  }
0xd: {  	[smem:$0x3FB1] =	sst s5  }
0xe: {  	[smem:$0x3FB2] =	sst s6  }
0xf: {  	[smem:$0x3FB3] =	sst s7  }
0x10: {  	[smem:$0x3FB4] =	sst s8  }
0x11: {  	[smem:$0x3FB5] =	sst s9;
	s0 =	simm.s32 @!p0 $0x0  }
0x12: {  	s1 =	sld [smem:$0x3F9B];
	s0 =	simm.s32 @p0 $0x1  }
0x13: {  	[smem:$0x3FB6] =	sst s0;
	s0 =	simm.s32 @!p1 $0x0  }
0x14: {  	s2 =	sld [smem:$0x3F9A];
	s0 =	simm.s32 @p1 $0x1  }
0x15: {  	[smem:$0x3FB7] =	sst s0;
	s0 =	simm.s32 @!p2 $0x0  }
0x16: {  	s3 =	sld [smem:$0x3FDB];
	s0 =	simm.s32 @p2 $0x1  }
0x17: {  	s4 =	simm.s32 $0x1BF5;
	[smem:$0x3FB9] =	sst s0  }
0x18: {  	s0 =	sld [smem:$0x3F9C];
	_ =	swait.ge [sflag:s4], $0x0  }
0x19: {  	s7 =	sld [smem:$0x3F9D]  }
0x1a: {  	s8 =	sadd.s32 $0xFFFFE003, lr  }
0x1b: {  	s9 =	sadd.s32 $0xFFFFFEF7, lr;
	s5 =	simm.s32 $0xFFFFFFFF;
	p2 =	slt.u32 s8, $0xFFFFF086  }
0x1c: {  	p1 =	slt.u32 s9, $0xF7A;
	s5 =	simm.s32 @!p2 $0x0  }
0x1d: {  	s5 =	simm.s32 @p1 $0x1;
	p0 =	seq.s32 s7, s2  }
0x1e: {  	s7 =	smul.u32 @!p0 $0xF7A, s2;
	p2 =	seq.s32 @!p0 s5, $0x0  }
0x1f: {  	s9 =	smul.u32 $0xF7A, s1;
	s8 =	simm.s32 @!p0 $0x1BF5;
	p2 =	por !p2, p0  }
0x20: {  	[sflag:s8] =	ssyncset.s32 @!p0 $0xFFFFF086;
	s6 =	sadd.s32 @!p0 s3, s7;
	s7 =	simm.s32 @!p0 $0x108  }
0x21: {  	s3 =	sadd.s32 s3, s9;
	s6 =	sadd.s32 @!p0 $0x88, s6;
	s7 =	simm.s32 @p2 $0x1082  }
0x22: {  	[simem:s7], [sflag:s8] =	dma.local @!p0 [hbm:s6], $0xF7A  }
0x23: {  	s9 =	sor.u32 $0xD0000000, s2;
	s6 =	simm.s32 $0x108;
	_ =	swait.ge @!p0 [sflag:s8], $0x0  }
0x24: {  	s3 =	sadd.s32 $0x88, s3;
	s6 =	simm.s32 @!p1 $0x1082;
	[sflag:s4] =	ssyncset.s32 $0xFFFFF086  }
0x25: {  	[simem:s6], [sflag:s4] =	dma.local [hbm:s3], $0xF7A  }
0x26: {  	[smem:$0x3F9D] =	sst s1;
	(tag) =	ssettag s2;
	_ =	strace s9  }
0x27: {  	s1 =	sld [smem:$0x3FAD]  }
0x28: {  	s2 =	sld [smem:$0x3FAE]  }
0x29: {  	s4 =	sld [smem:$0x3FB0]  }
0x2a: {  	p0 =	seq.s32 s5, $0x0;
	s5 =	sld [smem:$0x3FB1]  }
0x2b: {  	s6 =	sld [smem:$0x3FB2]  }
0x2c: {  	s7 =	sld [smem:$0x3FB3]  }
0x2d: {  	s3 =	simm.s32 $0x108;
	s8 =	sld [smem:$0x3FB4]  }
0x2e: {  	s3 =	simm.s32 @!p0 $0x1082;
	s9 =	sld [smem:$0x3FB5]  }
0x2f: {  	lr =	sadd.s32 s0, s3;
	s0 =	sld [smem:$0x3FAC]  }
0x30: {  	s3 =	sld [smem:$0x3FAF]  }
0x31: {  	[smem:$0x3FB8] =	sst s10  }
0x32: {  	s10 =	sld [smem:$0x3FB6];
	_ =	sdelay $0x3  }
0x33: {  	p0 =	seq.s32 s10, $0x1;
	s10 =	sld [smem:$0x3FB8];
	_ =	sdelay $0x3  }
0x34: {  	[smem:$0x3FB8] =	sst s10  }
0x35: {  	s10 =	sld [smem:$0x3FB7];
	_ =	sdelay $0x3  }
0x36: {  	p1 =	seq.s32 s10, $0x1;
	s10 =	sld [smem:$0x3FB8];
	_ =	sdelay $0x3  }
0x37: {  	[smem:$0x3FB8] =	sst s10  }
0x38: {  	s10 =	sld [smem:$0x3FB9]  }
0x39: {  	_ = 	snop;
	(pc) =	sbr.ind lr, $3  }
0x3a: {  	_ = 	snop  }
0x3b: {  	_ = 	snop  }
0x3c: {  	p2 =	seq.s32 s10, $0x1;
	s10 =	sld [smem:$0x3FB8]  }
0x3d: {  	_ =	shalt  }
0x3e: {  	_ =	shalt  }
0x3f: {  	_ =	shalt  }
0x40: {  	_ =	shalt  }
0x41: {  	_ =	shalt  }
0x42: {  	_ =	shalt  }
0x43: {  	_ =	shalt  }
0x44: {  	_ =	shalt  }
0x45: {  	_ =	shalt  }
0x46: {  	_ =	shalt  }
0x47: {  	_ =	shalt  }
0x48: {  	_ =	shalt  }
0x49: {  	_ =	shalt  }
0x4a: {  	_ =	shalt  }
0x4b: {  	_ =	shalt  }
0x4c: {  	_ =	shalt  }
0x4d: {  	_ =	shalt  }
0x4e: {  	_ =	shalt  }
0x4f: {  	_ =	shalt  }
0x50: {  	_ =	shalt  }
0x51: {  	_ =	shalt  }
0x52: {  	_ =	shalt  }
0x53: {  	_ =	shalt  }
0x54: {  	_ =	shalt  }
0x55: {  	_ =	shalt  }
0x56: {  	_ =	shalt  }
0x57: {  	_ =	shalt  }
0x58: {  	_ =	shalt  }
0x59: {  	_ =	shalt  }
0x5a: {  	_ =	shalt  }
0x5b: {  	_ =	shalt  }
0x5c: {  	_ =	shalt  }
0x5d: {  	_ =	shalt  }
0x5e: {  	_ =	shalt  }
0x5f: {  	_ =	shalt  }
0x60: {  	_ =	shalt  }
0x61: {  	_ =	shalt  }
0x62: {  	_ =	shalt  }
0x63: {  	_ =	shalt  }
0x64: {  	_ =	shalt  }
0x65: {  	_ =	shalt  }
0x66: {  	_ =	shalt  }
0x67: {  	_ =	shalt  }
0x68: {  	_ =	shalt  }
0x69: {  	_ =	shalt  }
0x6a: {  	_ =	shalt  }
0x6b: {  	_ =	shalt  }
0x6c: {  	_ =	shalt  }
0x6d: {  	_ =	shalt  }
0x6e: {  	_ =	shalt  }
0x6f: {  	_ =	shalt  }
0x70: {  	_ =	shalt  }
0x71: {  	_ =	shalt  }
0x72: {  	_ =	shalt  }
0x73: {  	_ =	shalt  }
0x74: {  	_ =	shalt  }
0x75: {  	_ =	shalt  }
0x76: {  	_ =	shalt  }
0x77: {  	_ =	shalt  }
0x78: {  	_ =	shalt  }
0x79: {  	_ =	shalt  }
0x7a: {  	_ =	shalt  }
0x7b: {  	_ =	shalt  }
0x7c: {  	_ =	shalt  }
0x7d: {  	_ =	shalt  }
0x7e: {  	_ =	shalt  }
0x7f: {  	_ =	shalt  }
0x80: {  	_ =	shalt  }
0x81: {  	_ =	shalt  }
0x82: {  	_ =	shalt  }
0x83: {  	_ =	shalt  }
0x84: {  	_ =	shalt  }
0x85: {  	_ =	shalt  }
0x86: {  	_ =	shalt  }
0x87: {  	_ =	shalt  }
.Lfunc_end0:
.L_simem_size_0:
called_computation_lowered:
.L_overlay_start_0:
0x88: {  	s2 =	sld [smem:$0x3FD9]  }
0x89: {  	s3 =	sld [smem:$0x3FFE];
	_ =	sdelay $0x1  }
0x8a: {  	s1 =	srdreg.scid  }
0x8b: {  	s0 =	sand.u32 $0x1, s1  }
0x8c: {  	s17 =	sshll.u32 s0, $0xA;
	s2 =	sadd.s32 s3, s2  }
0x8d: {  	s2 =	sadd.s32 s2, s17  }
0x8e: {  	[smem:$0x3FC4] =	sst s2  }
0x8f: {  	_ = 	snop  }
0x90: {  	s2 =	sld [smem:$0x3FD0];
	(tm) =	ssettm $0x1  }
0x91: {  	s18 =	sld [smem:$0x3FFB];
	_ =	sdelay $0x3  }
0x92: {  	_ =	strace s18  }
0x93: {  	s3 =	sld [smem:$0x3FFC];
	_ =	sdelay $0x3  }
0x94: {  	_ =	strace s3  }
0x95: {  	s3 =	sld [smem:$0x3FFD];
	_ =	sdelay $0x3  }
0x96: {  	_ =	strace s3  }
0x97: {  	_ =	strace $0x8FFFFFFF  }
0x98: {  	s19 =	sld [smem:$0x3FDB];
	_ =	sdelay $0x1  }
0x99: {  	s4 =	simm.s32 $_scs_section_size  }
0x9a: {  	s5 =	simm.s32 $_size__tile_overlayer_lowered;
	s6 =	simm.s32 $_tile_overlayer_lowered  }
0x9b: {  	s22 =	simm.s32 $0x1BFF;
	s21 =	sshll.u32 s6, $0x1;
	s3 =	sadd.s32 s4, s19  }
0x9c: {  	s7 =	simm.s32 $0x0;
	s20 =	sshll.u32 s5, $0x1;
	s5 =	sadd.s32 s21, s3  }
0x9d: {  	[timem:s7], [sflag:s22] =	dma.local [hbm:s5], s20  }
0x9e: {  	_ =	swait.ge [sflag:s22], s20  }
0x9f: {  	s4 =	ssub.s32 $0x0, s20;
	[sflag:s22] =	ssyncset.done $0x0  }
0xa0: {  	[sflag:s22] =	ssyncadd.s32 s4;
	_ =	sdelay $0x1  }
0xa1: {  	s23 =	simm.s32 $0x1B8B  }
0xa2: {  	_ =	swait.ge [sflag:s23], $0x1  }
0xa3: {  	[sflag:s23] =	ssyncset.done $0x0  }
0xa4: {  	s25 =	simm.s32 $0x1B8E;
	s24 =	sld [smem:$0x3FFE];
	[sflag:s23] =	ssyncadd.s32 $0xFFFFFFFF  }
0xa5: {  	s26 =	simm.s32 $execute0_lowered;
	[smem:$0x3FD2] =	sst s25  }
0xa6: {  	s5 =	sshll.u32 s26, $0x1;
	_ =	strace $0x80000046;
	[dreg:$0x1] =	wrdreg $0xFFFFFFFF  }
0xa7: {  	s28 =	simm.s32 $_size_execute0_lowered;
	s3 =	sadd.s32 s3, s5;
	[dreg:$0x0] =	wrdreg $0x0  }
0xa8: {  	s5 =	sshll.u32 s28, $0x1;
	[dreg:$0x2] =	wrdreg s3  }
0xa9: {  	[dreg:$0x3] =	wrdreg s5  }
0xaa: {  	[dreg:$0x4] =	wrdreg $0xC0  }
0xab: {  	_ =	task [dreg:s7], $0x5FFFF  }
0xac: {  	[dreg:$0x1] =	wrdreg $0xFFFFFFFF  }
0xad: {  	[dreg:$0x0] =	wrdreg $0x60  }
0xae: {  	[dreg:$0x2] =	wrdreg s24  }
0xaf: {  	[dreg:$0x3] =	wrdreg s2  }
0xb0: {  	[dreg:$0x4] =	wrdreg $0x9  }
0xb1: {  	_ =	task.clear_ibuf [dreg:s7], $0x5FFFF;
	_ =	strace $0x90000046  }
0xb2: {  	s29 =	simm.s32 $0x9;
	_ =	strace $0x80000048  }
0xb3: {  	_ =	swait.ge [sflag:s29], $0x1  }
0xb4: {  	[sflag:s29] =	ssyncadd.s32 $0xFFFFFFFF  }
0xb5: {  	_ =	strace $0x90000048  }
0xb6: {  	_ =	sfence  }
0xb7: {  	s30 =	sld [smem:$0x0];
	_ =	sdelay $0x2  }
0xb8: {  	s31 =	sshll.u32 s1, $0xD;
	s1 =	sshrl.u32 s1, $0x2  }
0xb9: {  	s3 =	sand.u32 $0x4000, s31;
	s1 =	sadd.s32 s1, s30  }
0xba: {  	s0 =	sor.u32 s3, s0;
	s1 =	sshll.u32 s1, $0x11  }
0xbb: {  	s0 =	sor.u32 s1, s0  }
0xbc: {  	s0 =	sadd.s32 $0x8F2B, s0  }
0xbd: {  	[sflag:s0] =	ssyncadd.remote.s32 $0x1  }
0xbe: {  	_ =	sfence.sel $0xFFFF  }
0xbf: {  	[dreg:$0x0] =	wrdreg $0xFFFFFFFF;
	(pc) =	sbr.abs _section_cstart, $3  }
0xc0: {  	[dreg:$0x1] =	wrdreg $0xFFFFFFFF  }
0xc1: {  	_ =	task.clear_ibuf [dreg:s7], $0x2FFFF;
	_ =	strace $0x9FFFFFFF  }
0xc2: {  	(tm) =	ssettm $0x7FFFFFFF  }
0xc3: {  	_ =	shalt  }
tec
execute0_lowered:
.L_overlay_start_1:
0x0: {  	(tag) =	ssettag $0x1  }
0x1: {  	s4 =	rddreg [dreg:$0x0]  }
0x2: {  	s7 =	rddreg [dreg:$0x1]  }
0x3: {  	s0 =	rddreg [dreg:$0x2];
	s3 =	srdreg.scid  }
0x4: {  	s1 =	stileid.u32;
	s2 =	simm.s32 $0x0;
	s12 =	simm.s32 $0x1  }
0x5: {  	s13 =	simm.s32 $0x80;
	s14 =	simm.s32 $0x7200;
	s15 =	simm.s32 $0x0  }
0x6: {  	s6 =	sand.u32 $0x1, s3;
	s25 =	sshll.u32 s1, $0x1;
	s29 =	smul.u32 $0x32000, s1  }
0x7: {  	[smem:$0x7FF] =	sst s2;
	s5 =	sor.u32 s6, s25;
	s30 =	smul.u32 $0x19000, s6  }
0x8: {  	s3 =	sadd.s32 $0x400, s4;
	s9 =	ssub.s32 $0x2, s6;
	s8 =	smul.u32 $0x320, s5  }
0x9: {  	_ =	strace $0x80000047;
	s10 =	sshrl.u32 s9, $0x1;
	s11 =	smul.u32 $0x19000, s5  }
0xa: {  	s28 =	ssub.s32 s9, s10;
	s9 =	sadd.s32 s29, s7;
	s10 =	simm.s32 $0x1900  }
0xb: {  	s26 =	sadd.s32 s8, s4;
	s6 =	smax.u32 s28, $0x1;
	s31 =	sadd.s32 s7, s11  }
0xc: {  	s8 =	sadd.s32 s30, s9;
	s9 =	simm.s32 $0x2;
	s11 =	simm.s32 $0x3200  }
0xd: {  	s4 =	sadd.s32 $0x2C00, s26;
	s5 =	sadd.s32 $0x9000, s26;
	s7 =	sadd.s32 $0x18800, s31  }
.LBB2_1:
0xe: {  	[tilespmem:s2], [sflag:$0x2] =	stream.linear.gather [hbm4b:s4+s2], $0x1900, $0x38;
	[tilespmem:$0xB200] =	vst v63  }
0xf: {  	_ =	swait.ge [sflag:s9], $0x1900  }
0x10: {  	[sflag:s9] =	ssyncset.done $0x0  }
0x11: {  	[sflag:s9] =	ssyncadd.s32 $0xFFFFE700  }
0x12: {  	[tilespmem:s10], [sflag:$0x2] =	stream.linear.gather [hbm4b:s5+s2], $0x1900, $0x38;
	[tilespmem:$0xB200] =	vst v63  }
0x13: {  	_ =	swait.ge [sflag:s9], $0x1900  }
0x14: {  	[sflag:s9] =	ssyncset.done $0x0  }
0x15: {  	s16 =	simm.s32 $0x40;
	[sflag:s9] =	ssyncadd.s32 $0xFFFFE700  }
0x16: {  	v0 =	vld [tilespmem:s16+$0xFFFFFFC0]  }
0x17: {  	s17 =	simm.s32 $0x1940  }
0x18: {  	v1 =	vld [tilespmem:s17+$0xFFFFFFC0];
	_ =	sdelay $0x2  }
0x19: {  	v0 =	vmul.u32 $0xA, v0;
	_ =	sdelay $0x1  }
0x1a: {  	v0 =	vadd.s32 v1, v0;
	v1 =	vld [tilespmem:s16+$0xFFFFFFD0]  }
0x1b: {  	[tilespmem:s16+$0xFFFFFFC0] =	vst v0  }
0x1c: {  	v0 =	vld [tilespmem:s17+$0xFFFFFFD0];
	_ =	sdelay $0x2  }
0x1d: {  	v1 =	vmul.u32 $0xA, v1;
	_ =	sdelay $0x1  }
0x1e: {  	v0 =	vadd.s32 v0, v1;
	v1 =	vld [tilespmem:s16+$0xFFFFFFE0]  }
0x1f: {  	[tilespmem:s16+$0xFFFFFFD0] =	vst v0  }
0x20: {  	v0 =	vld [tilespmem:s17+$0xFFFFFFE0];
	_ =	sdelay $0x2  }
0x21: {  	v1 =	vmul.u32 $0xA, v1;
	_ =	sdelay $0x1  }
0x22: {  	v0 =	vadd.s32 v0, v1;
	v1 =	vld [tilespmem:s16+$0xFFFFFFF0]  }
0x23: {  	[tilespmem:s16+$0xFFFFFFE0] =	vst v0  }
0x24: {  	v0 =	vld [tilespmem:s17+$0xFFFFFFF0];
	_ =	sdelay $0x2  }
0x25: {  	v1 =	vmul.u32 $0xA, v1;
	_ =	sdelay $0x1  }
0x26: {  	v0 =	vadd.s32 v0, v1;
	v1 =	vld [tilespmem:s16+$0x0]  }
0x27: {  	[tilespmem:s16+$0xFFFFFFF0] =	vst v0  }
0x28: {  	v0 =	vld [tilespmem:s17+$0x0];
	_ =	sdelay $0x2  }
0x29: {  	v1 =	vmul.u32 $0xA, v1;
	_ =	sdelay $0x1  }
0x2a: {  	v0 =	vadd.s32 v0, v1;
	v1 =	vld [tilespmem:s16+$0x10]  }
0x2b: {  	[tilespmem:s16+$0x0] =	vst v0  }
0x2c: {  	v0 =	vld [tilespmem:s17+$0x10];
	_ =	sdelay $0x2  }
0x2d: {  	v1 =	vmul.u32 $0xA, v1;
	_ =	sdelay $0x1  }
0x2e: {  	v0 =	vadd.s32 v0, v1;
	v1 =	vld [tilespmem:s16+$0x20]  }
0x2f: {  	[tilespmem:s16+$0x10] =	vst v0  }
0x30: {  	v0 =	vld [tilespmem:s17+$0x20];
	_ =	sdelay $0x2  }
0x31: {  	v1 =	vmul.u32 $0xA, v1;
	_ =	sdelay $0x1  }
0x32: {  	v2 =	vld [tilespmem:s16+$0x30];
	v0 =	vadd.s32 v0, v1  }
0x33: {  	[tilespmem:s16+$0x20] =	vst v0  }
0x34: {  	v0 =	vld [tilespmem:s17+$0x30];
	_ =	sdelay $0x2  }
0x35: {  	v1 =	vmul.u32 $0xA, v2  }
0x36: {  	s18 =	simm.s32 $0x0;
	s19 =	simm.s32 $0xC0  }
.LBB2_2:
0x37: {  	v2 =	vld [tilespmem:s19+$0xFFFFFFC0];
	s18 =	sadd.s32 $0x8, s18;
	v0 =	vadd.s32 v0, v1  }
0x38: {  	s17 =	sadd.s32 $0x80, s17;
	p0 =	slt.u32 s18, $0x188;
	[tilespmem:s16+$0x30] =	vst v0;
	s16 =	smov.u32 s19  }
0x39: {  	v0 =	vld [tilespmem:s17+$0xFFFFFFC0];
	_ =	sdelay $0x2  }
0x3a: {  	v1 =	vmul.u32 $0xA, v2;
	_ =	sdelay $0x1  }
0x3b: {  	v0 =	vadd.s32 v0, v1;
	v1 =	vld [tilespmem:s19+$0xFFFFFFD0]  }
0x3c: {  	[tilespmem:s19+$0xFFFFFFC0] =	vst v0  }
0x3d: {  	v0 =	vld [tilespmem:s17+$0xFFFFFFD0];
	_ =	sdelay $0x2  }
0x3e: {  	v1 =	vmul.u32 $0xA, v1;
	_ =	sdelay $0x1  }
0x3f: {  	v0 =	vadd.s32 v0, v1;
	v1 =	vld [tilespmem:s19+$0xFFFFFFE0]  }
0x40: {  	[tilespmem:s19+$0xFFFFFFD0] =	vst v0  }
0x41: {  	v0 =	vld [tilespmem:s17+$0xFFFFFFE0];
	_ =	sdelay $0x2  }
0x42: {  	v1 =	vmul.u32 $0xA, v1;
	_ =	sdelay $0x1  }
0x43: {  	v0 =	vadd.s32 v0, v1;
	v1 =	vld [tilespmem:s19+$0xFFFFFFF0]  }
0x44: {  	[tilespmem:s19+$0xFFFFFFE0] =	vst v0  }
0x45: {  	v0 =	vld [tilespmem:s17+$0xFFFFFFF0];
	_ =	sdelay $0x2  }
0x46: {  	v1 =	vmul.u32 $0xA, v1;
	_ =	sdelay $0x1  }
0x47: {  	v0 =	vadd.s32 v0, v1;
	v1 =	vld [tilespmem:s19+$0x0]  }
0x48: {  	[tilespmem:s19+$0xFFFFFFF0] =	vst v0  }
0x49: {  	v0 =	vld [tilespmem:s17+$0x0];
	_ =	sdelay $0x2  }
0x4a: {  	v1 =	vmul.u32 $0xA, v1;
	_ =	sdelay $0x1  }
0x4b: {  	v0 =	vadd.s32 v0, v1;
	v1 =	vld [tilespmem:s19+$0x10]  }
0x4c: {  	[tilespmem:s19+$0x0] =	vst v0  }
0x4d: {  	v0 =	vld [tilespmem:s17+$0x10];
	_ =	sdelay $0x2  }
0x4e: {  	v1 =	vmul.u32 $0xA, v1;
	_ =	sdelay $0x1  }
0x4f: {  	v0 =	vadd.s32 v0, v1;
	v1 =	vld [tilespmem:s19+$0x20]  }
0x50: {  	[tilespmem:s19+$0x10] =	vst v0  }
0x51: {  	v0 =	vld [tilespmem:s17+$0x20];
	_ =	sdelay $0x2  }
0x52: {  	v1 =	vmul.u32 $0xA, v1;
	_ =	sdelay $0x1  }
0x53: {  	v0 =	vadd.s32 v0, v1;
	v1 =	vld [tilespmem:s19+$0x30]  }
0x54: {  	[tilespmem:s19+$0x20] =	vst v0  }
.Ltmp0:
0x55: {  	v0 =	vld [tilespmem:s17+$0x30];
	(pc) =	sbr.rel @p0 .LBB2_2-.Ltmp0, $3  }
0x56: {  	_ =	sdelay $0x1  }
0x57: {  	v1 =	vmul.u32 $0xA, v1  }
0x58: {  	s19 =	sadd.s32 $0x80, s19  }
0x59: {  	v0 =	vadd.s32 v0, v1  }
0x5a: {  	s18 =	simm.s32 $0x0;
	[tilespmem:s16+$0x30] =	vst v0;
	s16 =	simm.s32 $0x80  }
0x5b: {  	[tilespmem:s11], [sflag:$0x1] =	stream.indirect.gather [hbm4b:s3+s16], $0x80, s18, s16, $0xb8;
	[tilespmem:$0xB200] =	vst v63  }
0x5c: {  	s17 =	simm.s32 $0x4000;
	_ =	swait.ge [sflag:s12], $0x4000  }
0x5d: {  	s19 =	sand.u32 $0x4000, s17;
	[sflag:s12] =	ssyncset.done $0x0  }
0x5e: {  	s19 =	sor.u32 $0x3200, s19;
	s18 =	sand.u32 $0x4000, s18;
	[sflag:s12] =	ssyncadd.s32 $0xFFFFC000  }
0x5f: {  	[tilespmem:s19], [sflag:$0x1] =	stream.indirect.gather [hbm4b:s3+s13], $0x80, s16, s13, $0xb8;
	[tilespmem:$0xB200] =	vst v63  }
0x60: {  	s18 =	sor.u32 $0x3200, s18  }
0x61: {  	[hbm4b:s8+s2] =	stream.linear.scatter [tilespmem:s18], [sflag:$0x2], $0x4000, $0x38;
	[tilespmem:$0xB200] =	vst v63  }
0x62: {  	_ =	swait.ge [sflag:s9], $0x4000  }
0x63: {  	[sflag:s9] =	ssyncset.done $0x0  }
0x64: {  	s18 =	smov.u32 s8;
	[sflag:s9] =	ssyncadd.s32 $0xFFFFC000  }
.LBB2_4:
0x65: {  	p0 =	sne.s32 s17, $0xC0000  }
0x66: {  	_ =	swait.ge [sflag:s12], $0x4000;
	s19 =	smov.u32 s17;
	s17 =	sadd.s32 $0x4000, s17  }
0x67: {  	s16 =	sadd.s32 $0x80, s16;
	s20 =	sand.u32 $0x4000, s17;
	[sflag:s12] =	ssyncset.done $0x0  }
0x68: {  	s19 =	sand.u32 $0x4000, s19;
	s20 =	sor.u32 $0x3200, s20;
	[sflag:s12] =	ssyncadd.s32 $0xFFFFC000  }
0x69: {  	[tilespmem:s20], [sflag:$0x1] =	stream.indirect.gather [hbm4b:s3+s13], $0x80, s16, s13, $0xb8;
	[tilespmem:$0xB200] =	vst v63  }
.Ltmp1:
0x6a: {  	s18 =	sadd.s32 $0x800, s18;
	s19 =	sor.u32 $0x3200, s19;
	(pc) =	sbr.rel @p0 .LBB2_4-.Ltmp1, $4  }
0x6b: {  	[hbm4b:s18+s2] =	stream.linear.scatter [tilespmem:s19], [sflag:$0x2], $0x4000, $0x38;
	[tilespmem:$0xB200] =	vst v63  }
0x6c: {  	_ =	swait.ge [sflag:s9], $0x4000  }
0x6d: {  	[sflag:s9] =	ssyncset.done $0x0  }
0x6e: {  	[sflag:s9] =	ssyncadd.s32 $0xFFFFC000  }
0x6f: {  	_ =	swait.ge [sflag:s12], $0x4000;
	s15 =	sadd.s32 $0x1, s15  }
0x70: {  	[sflag:s12] =	ssyncset.done $0x0;
	p0 =	sne.s32 s15, s6  }
.Ltmp2:
0x71: {  	[sflag:s12] =	ssyncadd.s32 $0xFFFFC000;
	(pc) =	sbr.rel @p0 .LBB2_1-.Ltmp2, $4  }
0x72: {  	[hbm4b:s7+s2] =	stream.linear.scatter [tilespmem:s14], [sflag:$0x2], $0x4000, $0x38;
	[tilespmem:$0xB200] =	vst v63  }
0x73: {  	_ =	swait.ge [sflag:s9], $0x4000  }
0x74: {  	[sflag:s9] =	ssyncset.done $0x0  }
0x75: {  	[sflag:s9] =	ssyncadd.s32 $0xFFFFC000  }
0x76: {  	_ =	sfence.sel $0x180000  }
0x77: {  	[bflag:$0x0] =	sbarrier.arrive $0xFFFF  }
0x78: {  	p0 =	sne.s32 s1, $0x0;
	_ =	strace $0x90000047  }
0x79: {  	s0 =	sadd.s32 @!p0 $0x100000, s0;
	[bflag:$0x2] =	sbarrier.arrive $0xFFFF  }
0x7a: {  	[sflag:s0] =	ssyncadd.tile.s32 @!p0 $0x1;
	_ =	shalt  }
.Lfunc_end2:
_tile_overlayer_lowered:
.L_overlay_start_2:
0x7b: {  	(tag) =	ssettag $0x2  }
0x7c: {  	s0 =	rddreg [dreg:$0x0];
	s2 =	stileid.u32  }
0x7d: {  	s1 =	rddreg [dreg:$0x1];
	p0 =	sne.s32 s2, $0x0  }
0x7e: {  	s3 =	rddreg [dreg:$0x2];
	[bflag:$0x3] =	sbarrier.arrive $0xFFFF;
	s2 =	simm.s32 @!p0 $0x1C02  }
0x7f: {  	[timem:s3], [sflag:s2] =	dma.local @!p0 [hbm:s0], s1  }
0x80: {  	s0 =	simm.s32 @!p0 $0x2  }
0x81: {  	_ =	swait.ge @!p0 [sflag:s0], s1  }
0x82: {  	s1 =	ssub.s32 @!p0 $0x0, s1;
	[sflag:s0] =	ssyncset.done @!p0 $0x0  }
0x83: {  	[sflag:s0] =	ssyncadd.s32 @!p0 s1  }
0x84: {  	[bflag:$0x3] =	sbarrier.arrive $0xFFFF  }
0x85: {  	_ =	shalt  }

</sc_bundles>
